<compile_context>
chip_gen: v7x
topology: tpu7x:2x2x1
jax: 0.10.2.dev20260603
libtpu: 0.0.44.dev20260713+nightly
codegen_flags: <defaults>
</compile_context>

<pallas_src>
import functools

import jax
import jax.numpy as jnp
from jax import lax
from jax.experimental import pallas as pl
from jax.experimental.pallas import tpu as pltpu
from jax.experimental.pallas import tpu_sc as plsc

N = 10000
NP = 10240
E = 160000
NUM_GRAPHS = 64
HID = 512
NB = 4
BW = 128
NTILES = 16
ROWS_PER_TILE = NP // NTILES
CHUNK = 128
NCHUNK = 80
NHALF = 2
HALF = NCHUNK // NHALF
EP = NTILES * NCHUNK * CHUNK
DUMMY = NP - 8

@functools.cache
def _mesh():
    return plsc.VectorSubcoreMesh(core_axis_name="c", subcore_axis_name="s",
                                  num_cores=2, num_subcores=NTILES)


def _deg_body(dst_hbm, ones_hbm, deg_hbm, accd, dst_v, ones_v):
    c = lax.axis_index("c")
    t = lax.axis_index("s")
    pltpu.sync_copy(ones_hbm, ones_v)
    for k in range(ROWS_PER_TILE // CHUNK):
        pltpu.sync_copy(
            ones_v, accd.at[pl.ds(t * ROWS_PER_TILE + k * CHUNK, CHUNK)])
    plsc.subcore_barrier()

    for hh in range(NHALF):
        pltpu.sync_copy(dst_hbm.at[t * NHALF + hh], dst_v)

        @pl.loop(0, HALF)
        def _(j):
            pltpu.sync_copy(ones_v, accd.at[dst_v.at[j]], add=True)

    plsc.subcore_barrier()
    pltpu.sync_copy(accd.at[pl.ds(t * ROWS_PER_TILE, ROWS_PER_TILE)],
                    deg_hbm.at[c, pl.ds(t * ROWS_PER_TILE, ROWS_PER_TILE)])


@jax.jit
def _deg_call(dstp, ones):
    k = pl.kernel(
        _deg_body,
        out_type=jax.ShapeDtypeStruct((2, NP, BW), jnp.float32),
        mesh=_mesh(),
        scratch_types=[
            pltpu.VMEM_SHARED((NP, BW), jnp.float32),
            pltpu.VMEM((HALF, CHUNK), jnp.int32),
            pltpu.VMEM((CHUNK, BW), jnp.float32),
        ],
    )
    return k(dstp, ones)


_NBUF = 2


def _gs_body(h_hbm, src_hbm, dst_hbm, out_hbm, acc, src_v, dst_v,
             g0, g1, s0, s1, ss0, ss1):
    c = lax.axis_index("c")
    t = lax.axis_index("s")
    bufs = (g0, g1)
    sems = (s0, s1)
    ssems = (ss0, ss1)
    for b in range(2):
        blk = c * 2 + b
        pltpu.sync_copy(
            h_hbm.at[pl.ds(blk * NP + t * ROWS_PER_TILE, ROWS_PER_TILE)],
            acc.at[pl.ds(t * ROWS_PER_TILE, ROWS_PER_TILE)])
        plsc.subcore_barrier()

        for hh in range(NHALF):
            pltpu.sync_copy(
                src_hbm.at[(blk * NTILES + t) * NHALF + hh], src_v)
            pltpu.sync_copy(dst_hbm.at[t * NHALF + hh], dst_v)

            for i in range(_NBUF):
                pltpu.async_copy(h_hbm.at[src_v.at[i]], bufs[i], sems[i])

            @pl.loop(0, HALF, step=_NBUF)
            def _(j):
                for i in range(_NBUF):
                    pltpu.make_async_copy(
                        h_hbm.at[pl.ds(0, CHUNK)], bufs[i], sems[i]).wait()
                    pltpu.async_copy(bufs[i], acc.at[dst_v.at[j + i]],
                                     ssems[i], add=True)
                for i in range(_NBUF):
                    pltpu.make_async_copy(
                        bufs[i], acc.at[pl.ds(0, CHUNK)], ssems[i]).wait()
                    nxt = jnp.minimum(j + i + _NBUF, HALF - 1)
                    pltpu.async_copy(h_hbm.at[src_v.at[nxt]], bufs[i],
                                     sems[i])

            for i in range(_NBUF):
                pltpu.make_async_copy(
                    h_hbm.at[pl.ds(0, CHUNK)], bufs[i], sems[i]).wait()

        plsc.subcore_barrier()
        pltpu.sync_copy(
            acc.at[pl.ds(t * ROWS_PER_TILE, ROWS_PER_TILE)],
            out_hbm.at[pl.ds(blk * NP + t * ROWS_PER_TILE, ROWS_PER_TILE)])
        plsc.subcore_barrier()


@jax.jit
def _gs_call(h, srcp_off, dstp):
    k = pl.kernel(
        _gs_body,
        out_type=jax.ShapeDtypeStruct((NB * NP, BW), jnp.float32),
        mesh=_mesh(),
        scratch_types=[
            pltpu.VMEM_SHARED((NP, BW), jnp.float32),
            pltpu.VMEM((HALF, CHUNK), jnp.int32),
            pltpu.VMEM((HALF, CHUNK), jnp.int32),
            pltpu.VMEM((CHUNK, BW), jnp.float32),
            pltpu.VMEM((CHUNK, BW), jnp.float32),
            pltpu.SemaphoreType.DMA,
            pltpu.SemaphoreType.DMA,
            pltpu.SemaphoreType.DMA,
            pltpu.SemaphoreType.DMA,
        ],
    )
    return k(h, srcp_off, dstp)


_TC_ROWS = 512
_GRID = NP // _TC_ROWS


def _dinv(deg_ref):
    return 1.0 / jnp.sqrt(deg_ref[0][:, 0:1])


def _mm1_body(x_ref, w_ref, deg_ref, out_ref):
    dinv = _dinv(deg_ref)
    h = jnp.dot(x_ref[...], w_ref[...], preferred_element_type=jnp.float32)
    hp = h * dinv
    for b in range(NB):
        out_ref[b] = hp[:, b * BW:(b + 1) * BW]


@jax.jit
def _mm1_call(x_p, W1, deg):
    in_dim = x_p.shape[1]
    return pl.pallas_call(
        _mm1_body,
        grid=(_GRID,),
        in_specs=[
            pl.BlockSpec((_TC_ROWS, in_dim), lambda i: (i, 0)),
            pl.BlockSpec((in_dim, HID), lambda i: (0, 0)),
            pl.BlockSpec((2, _TC_ROWS, BW), lambda i: (0, i, 0)),
        ],
        out_specs=pl.BlockSpec((NB, _TC_ROWS, BW), lambda i: (0, i, 0)),
        out_shape=jax.ShapeDtypeStruct((NB, NP, BW), jnp.float32),
        compiler_params=pltpu.CompilerParams(
            dimension_semantics=("parallel",)),
    )(x_p, W1, deg)


def _fmm_body(acc_ref, deg_ref, bias_ref, w_ref, out_ref):
    dinv = _dinv(deg_ref)
    a = jnp.concatenate([acc_ref[b] for b in range(NB)], axis=1)
    y = jnp.maximum(a * dinv + bias_ref[...], 0.0)
    h = jnp.dot(y, w_ref[...], preferred_element_type=jnp.float32)
    hp = h * dinv
    for b in range(NB):
        out_ref[b] = hp[:, b * BW:(b + 1) * BW]


@jax.jit
def _fmm_call(a, deg, bias, W):
    return pl.pallas_call(
        _fmm_body,
        grid=(_GRID,),
        in_specs=[
            pl.BlockSpec((NB, _TC_ROWS, BW), lambda i: (0, i, 0)),
            pl.BlockSpec((2, _TC_ROWS, BW), lambda i: (0, i, 0)),
            pl.BlockSpec((1, HID), lambda i: (0, 0)),
            pl.BlockSpec((HID, HID), lambda i: (0, 0)),
        ],
        out_specs=pl.BlockSpec((NB, _TC_ROWS, BW), lambda i: (0, i, 0)),
        out_shape=jax.ShapeDtypeStruct((NB, NP, BW), jnp.float32),
        compiler_params=pltpu.CompilerParams(
            dimension_semantics=("parallel",)),
    )(a, deg, bias, W)


def _pool_body(acc_ref, deg_ref, bias_ref, batch_ref, wm1_ref, bm1_ref,
               wm2_ref, bm2_ref, out_ref, g_acc, c_acc):
    i = pl.program_id(0)

    @pl.when(i == 0)
    def _():
        g_acc[...] = jnp.zeros_like(g_acc)
        c_acc[...] = jnp.zeros_like(c_acc)

    dinv = _dinv(deg_ref)
    a = jnp.concatenate([acc_ref[b] for b in range(NB)], axis=1)
    y = jnp.maximum(a * dinv + bias_ref[...], 0.0)
    bt = jnp.broadcast_to(batch_ref[...], (NUM_GRAPHS, _TC_ROWS))
    pt = (bt == lax.broadcasted_iota(jnp.int32, (NUM_GRAPHS, _TC_ROWS), 0)
          ).astype(jnp.float32)
    g_acc[...] += jnp.dot(pt, y, preferred_element_type=jnp.float32,
                precision=lax.Precision.HIGHEST)
    c_acc[...] += jnp.dot(pt, jnp.ones((_TC_ROWS, 1), jnp.float32),
                          preferred_element_type=jnp.float32,
                precision=lax.Precision.HIGHEST)

    @pl.when(i == pl.num_programs(0) - 1)
    def _():
        g = g_acc[...] / jnp.maximum(c_acc[...], 1.0)
        h1 = jnp.maximum(
            jnp.dot(g, wm1_ref[...], preferred_element_type=jnp.float32)
            + bm1_ref[...], 0.0)
        out_ref[...] = (
            jnp.dot(h1, wm2_ref[...], preferred_element_type=jnp.float32)
            + bm2_ref[...])


@jax.jit
def _pool_call(a, deg, bias, batch_p, Wm1, bm1, Wm2, bm2):
    return pl.pallas_call(
        _pool_body,
        grid=(_GRID,),
        in_specs=[
            pl.BlockSpec((NB, _TC_ROWS, BW), lambda i: (0, i, 0)),
            pl.BlockSpec((2, _TC_ROWS, BW), lambda i: (0, i, 0)),
            pl.BlockSpec((1, HID), lambda i: (0, 0)),
            pl.BlockSpec((1, _TC_ROWS), lambda i: (0, i)),
            pl.BlockSpec((HID, HID), lambda i: (0, 0)),
            pl.BlockSpec((1, HID), lambda i: (0, 0)),
            pl.BlockSpec((HID, 1), lambda i: (0, 0)),
            pl.BlockSpec((1, 1), lambda i: (0, 0)),
        ],
        out_specs=pl.BlockSpec((NUM_GRAPHS, 1), lambda i: (0, 0)),
        out_shape=jax.ShapeDtypeStruct((NUM_GRAPHS, 1), jnp.float32),
        scratch_shapes=[
            pltpu.VMEM((NUM_GRAPHS, HID), jnp.float32),
            pltpu.VMEM((NUM_GRAPHS, 1), jnp.float32),
        ],
        compiler_params=pltpu.CompilerParams(
            dimension_semantics=("arbitrary",)),
    )(a, deg, bias, batch_p, Wm1, bm1, Wm2, bm2)


def kernel(x, edge_index, batch, W1, b1, W2, b2, W3, b3, Wm1, bm1, Wm2, bm2):
    x = x.astype(jnp.float32)
    src = edge_index[0].astype(jnp.int32)
    dst = edge_index[1].astype(jnp.int32)
    pad = EP - E
    srcp = jnp.concatenate(
        [src, jnp.zeros((pad,), jnp.int32)]).reshape(NTILES, NCHUNK, CHUNK)
    srcp_off = jnp.stack(
        [srcp + blk * NP for blk in range(NB)]).reshape(
            NB * NTILES * NHALF, HALF, CHUNK)
    dstp = jnp.concatenate(
        [dst, jnp.full((pad,), DUMMY, jnp.int32)]).reshape(
            NTILES * NHALF, HALF, CHUNK)
    x_p = jnp.pad(x, ((0, NP - N), (0, 0)))
    batch_p = jnp.pad(batch.astype(jnp.int32), (0, NP - N),
                      constant_values=NUM_GRAPHS).reshape(1, NP)
    ones = jnp.ones((CHUNK, BW), jnp.float32)

    deg = _deg_call(dstp, ones)
    h1 = _mm1_call(x_p, W1, deg)
    a1 = _gs_call(h1.reshape(NB * NP, BW), srcp_off, dstp).reshape(NB, NP, BW)
    h2 = _fmm_call(a1, deg, b1.reshape(1, HID), W2)
    a2 = _gs_call(h2.reshape(NB * NP, BW), srcp_off, dstp).reshape(NB, NP, BW)
    h3 = _fmm_call(a2, deg, b2.reshape(1, HID), W3)
    a3 = _gs_call(h3.reshape(NB * NP, BW), srcp_off, dstp).reshape(NB, NP, BW)
    out = _pool_call(a3, deg, b3.reshape(1, HID), batch_p, Wm1,
                     bm1.reshape(1, HID), Wm2, bm2.reshape(1, 1))
    return out.reshape(-1)

# --- scband reference (transcript-rebuilt; emitter-appended) ---
"""Pipeline reference for scband-gcnregressor-13700945674410 (READ-ONLY COPY).

The authoritative reference and input builder live on the scoring server;
editing this copy changes nothing except your own understanding.
"""

import jax, jax.numpy as jnp
import numpy as np

N = 10000
E = 160000
IN_DIM = 256
HID = 512
NUM_GRAPHS = 64


def setup_inputs(seed: int = 0) -> dict:
    key = jax.random.key(seed)
    ks = jax.random.split(key, 13)
    x = jax.random.normal(ks[0], (N, IN_DIM), dtype=jnp.float32)
    edge_index = jax.random.randint(ks[1], (2, E), 0, N, dtype=jnp.int32)
    batch = jnp.sort(jax.random.randint(ks[2], (N,), 0, NUM_GRAPHS, dtype=jnp.int32))
    s = 0.05
    W1 = jax.random.normal(ks[3], (IN_DIM, HID), dtype=jnp.float32) * s
    b1 = jnp.zeros((HID,), jnp.float32)
    W2 = jax.random.normal(ks[4], (HID, HID), dtype=jnp.float32) * s
    b2 = jnp.zeros((HID,), jnp.float32)
    W3 = jax.random.normal(ks[5], (HID, HID), dtype=jnp.float32) * s
    b3 = jnp.zeros((HID,), jnp.float32)
    Wm1 = jax.random.normal(ks[6], (HID, HID), dtype=jnp.float32) * s
    bm1 = jnp.zeros((HID,), jnp.float32)
    Wm2 = jax.random.normal(ks[7], (HID, 1), dtype=jnp.float32) * s
    bm2 = jnp.zeros((1,), jnp.float32)
    return {"x": x, "edge_index": edge_index, "batch": batch,
            "W1": W1, "b1": b1, "W2": W2, "b2": b2, "W3": W3, "b3": b3,
            "Wm1": Wm1, "bm1": bm1, "Wm2": Wm2, "bm2": bm2}


def _gcn_conv(x, src, dst, W, b):
    # GCNConv with added self-loops and symmetric normalization (PyG default)
    deg = jnp.zeros((x.shape[0],), x.dtype).at[dst].add(1.0)
    dinv = jnp.where(deg > 0, 1.0 / jnp.sqrt(deg), 0.0)
    norm = dinv[src] * dinv[dst]
    h = x @ W
    msg = h[src] * norm[:, None]
    out = jax.ops.segment_sum(msg, dst, num_segments=x.shape[0])
    return out + b


def reference(x, edge_index, batch, W1, b1, W2, b2, W3, b3, Wm1, bm1, Wm2, bm2):
    x = x.astype(jnp.float32)
    loop = jnp.arange(x.shape[0], dtype=edge_index.dtype)
    src = jnp.concatenate([edge_index[0], loop])
    dst = jnp.concatenate([edge_index[1], loop])
    h = jax.nn.relu(_gcn_conv(x, src, dst, W1, b1))
    h = jax.nn.relu(_gcn_conv(h, src, dst, W2, b2))
    h = jax.nn.relu(_gcn_conv(h, src, dst, W3, b3))
    # global_mean_pool
    ssum = jax.ops.segment_sum(h, batch, num_segments=NUM_GRAPHS)
    cnt = jax.ops.segment_sum(jnp.ones((h.shape[0],), h.dtype), batch, num_segments=NUM_GRAPHS)
    g = ssum / jnp.maximum(cnt, 1.0)[:, None]
    out = jax.nn.relu(g @ Wm1 + bm1) @ Wm2 + bm2
    return out.reshape(-1)

if __name__ == "__main__":
    import jax
    _d = setup_inputs()
    print(jax.jit(kernel)(*tuple(_d.values())))

</pallas_src>

<mosaic_0001>
#map = affine_map<(d0, d1) -> (0, 0, 0)>
#map1 = affine_map<(d0, d1) -> (0, 0)>
module attributes {stable_mosaic.version = 14 : i64} {
  func.func @_deg_body(%arg0: i32, %arg1: i32, %arg2: memref<32x40x128xi32, #tpu.memory_space<hbm>>, %arg3: memref<128x128xf32, #tpu.memory_space<hbm>>, %arg4: memref<2x10240x128xf32, #tpu.memory_space<hbm>>, %arg5: memref<10240x128xf32, #tpu.memory_space<vmem_shared>>, %arg6: memref<40x128xi32, #tpu.memory_space<vmem>>, %arg7: memref<128x128xf32, #tpu.memory_space<vmem>>) attributes {dimension_semantics = [#tpu.dimension_semantics<core_parallel>, #tpu.dimension_semantics<subcore_parallel>], iteration_bounds = array<i64: 2, 16>, scalar_prefetch = 0 : i64, scratch_operands = 3 : i64, tpu.core_type = #tpu.core_type<sc_vector_subcore>, window_params = [{transform_indices = #map}, {transform_indices = #map1}, {transform_indices = #map}]} {
    "tpu.region"() ({
      %run_scoped3A = tpu.sem_alloc : memref<!tpu.dma_semaphore, #tpu.memory_space<semaphore_mem>>
      tpu.enqueue_dma source(%arg3 : memref<128x128xf32, #tpu.memory_space<hbm>>) target(%arg7 : memref<128x128xf32, #tpu.memory_space<vmem>>) target_semaphore(%run_scoped3A : memref<!tpu.dma_semaphore, #tpu.memory_space<semaphore_mem>>)
      tpu.wait_dma2 semaphore(%run_scoped3A : memref<!tpu.dma_semaphore, #tpu.memory_space<semaphore_mem>>) src(%arg3 : memref<128x128xf32, #tpu.memory_space<hbm>>) dst(%arg7 : memref<128x128xf32, #tpu.memory_space<vmem>>)
      tpu.yield
    }) : () -> ()
    %mul3A = arith.constant 640 : i32
    %mul3A_0 = arith.muli %arg1, %mul3A : i32
    %add3A = arith.constant 0 : i32
    %add3A_1 = arith.addi %mul3A_0, %add3A : i32
    "tpu.region"() ({
      %run_scoped3A = tpu.sem_alloc : memref<!tpu.dma_semaphore, #tpu.memory_space<semaphore_mem>>
      %dma_start3A = arith.constant 0 : i32
      %dma_start3A_40 = tpu.memref_slice %arg5[%add3A_1, %dma_start3A] : memref<10240x128xf32, #tpu.memory_space<vmem_shared>> -> memref<128x128xf32, #tpu.memory_space<vmem_shared>>
      %dma_start3A_41 = arith.constant 0 : i32
      %dma_start3A_42 = tpu.memref_slice %arg5[%add3A_1, %dma_start3A_41] : memref<10240x128xf32, #tpu.memory_space<vmem_shared>> -> memref<128x128xf32, #tpu.memory_space<vmem_shared>>
      tpu.enqueue_dma source(%arg7 : memref<128x128xf32, #tpu.memory_space<vmem>>) target(%dma_start3A_42 : memref<128x128xf32, #tpu.memory_space<vmem_shared>>) target_semaphore(%run_scoped3A : memref<!tpu.dma_semaphore, #tpu.memory_space<semaphore_mem>>)
      %dma_wait3A = arith.constant 0 : i32
      %dma_wait3A_43 = tpu.memref_slice %arg5[%add3A_1, %dma_wait3A] : memref<10240x128xf32, #tpu.memory_space<vmem_shared>> -> memref<128x128xf32, #tpu.memory_space<vmem_shared>>
      %dma_wait3A_44 = arith.constant 0 : i32
      %dma_wait3A_45 = tpu.memref_slice %arg5[%add3A_1, %dma_wait3A_44] : memref<10240x128xf32, #tpu.memory_space<vmem_shared>> -> memref<128x128xf32, #tpu.memory_space<vmem_shared>>
      tpu.wait_dma2 semaphore(%run_scoped3A : memref<!tpu.dma_semaphore, #tpu.memory_space<semaphore_mem>>) src(%arg7 : memref<128x128xf32, #tpu.memory_space<vmem>>) dst(%dma_wait3A_45 : memref<128x128xf32, #tpu.memory_space<vmem_shared>>)
      tpu.yield
    }) : () -> ()
    %mul3A_2 = arith.constant 640 : i32
    %mul3A_3 = arith.muli %arg1, %mul3A_2 : i32
    %add3A_4 = arith.constant 128 : i32
    %add3A_5 = arith.addi %mul3A_3, %add3A_4 : i32
    "tpu.region"() ({
      %run_scoped3A = tpu.sem_alloc : memref<!tpu.dma_semaphore, #tpu.memory_space<semaphore_mem>>
      %dma_start3A = arith.constant 0 : i32
      %dma_start3A_40 = tpu.memref_slice %arg5[%add3A_5, %dma_start3A] : memref<10240x128xf32, #tpu.memory_space<vmem_shared>> -> memref<128x128xf32, #tpu.memory_space<vmem_shared>>
      %dma_start3A_41 = arith.constant 0 : i32
      %dma_start3A_42 = tpu.memref_slice %arg5[%add3A_5, %dma_start3A_41] : memref<10240x128xf32, #tpu.memory_space<vmem_shared>> -> memref<128x128xf32, #tpu.memory_space<vmem_shared>>
      tpu.enqueue_dma source(%arg7 : memref<128x128xf32, #tpu.memory_space<vmem>>) target(%dma_start3A_42 : memref<128x128xf32, #tpu.memory_space<vmem_shared>>) target_semaphore(%run_scoped3A : memref<!tpu.dma_semaphore, #tpu.memory_space<semaphore_mem>>)
      %dma_wait3A = arith.constant 0 : i32
      %dma_wait3A_43 = tpu.memref_slice %arg5[%add3A_5, %dma_wait3A] : memref<10240x128xf32, #tpu.memory_space<vmem_shared>> -> memref<128x128xf32, #tpu.memory_space<vmem_shared>>
      %dma_wait3A_44 = arith.constant 0 : i32
      %dma_wait3A_45 = tpu.memref_slice %arg5[%add3A_5, %dma_wait3A_44] : memref<10240x128xf32, #tpu.memory_space<vmem_shared>> -> memref<128x128xf32, #tpu.memory_space<vmem_shared>>
      tpu.wait_dma2 semaphore(%run_scoped3A : memref<!tpu.dma_semaphore, #tpu.memory_space<semaphore_mem>>) src(%arg7 : memref<128x128xf32, #tpu.memory_space<vmem>>) dst(%dma_wait3A_45 : memref<128x128xf32, #tpu.memory_space<vmem_shared>>)
      tpu.yield
    }) : () -> ()
    %mul3A_6 = arith.constant 640 : i32
    %mul3A_7 = arith.muli %arg1, %mul3A_6 : i32
    %add3A_8 = arith.constant 256 : i32
    %add3A_9 = arith.addi %mul3A_7, %add3A_8 : i32
    "tpu.region"() ({
      %run_scoped3A = tpu.sem_alloc : memref<!tpu.dma_semaphore, #tpu.memory_space<semaphore_mem>>
      %dma_start3A = arith.constant 0 : i32
      %dma_start3A_40 = tpu.memref_slice %arg5[%add3A_9, %dma_start3A] : memref<10240x128xf32, #tpu.memory_space<vmem_shared>> -> memref<128x128xf32, #tpu.memory_space<vmem_shared>>
      %dma_start3A_41 = arith.constant 0 : i32
      %dma_start3A_42 = tpu.memref_slice %arg5[%add3A_9, %dma_start3A_41] : memref<10240x128xf32, #tpu.memory_space<vmem_shared>> -> memref<128x128xf32, #tpu.memory_space<vmem_shared>>
      tpu.enqueue_dma source(%arg7 : memref<128x128xf32, #tpu.memory_space<vmem>>) target(%dma_start3A_42 : memref<128x128xf32, #tpu.memory_space<vmem_shared>>) target_semaphore(%run_scoped3A : memref<!tpu.dma_semaphore, #tpu.memory_space<semaphore_mem>>)
      %dma_wait3A = arith.constant 0 : i32
      %dma_wait3A_43 = tpu.memref_slice %arg5[%add3A_9, %dma_wait3A] : memref<10240x128xf32, #tpu.memory_space<vmem_shared>> -> memref<128x128xf32, #tpu.memory_space<vmem_shared>>
      %dma_wait3A_44 = arith.constant 0 : i32
      %dma_wait3A_45 = tpu.memref_slice %arg5[%add3A_9, %dma_wait3A_44] : memref<10240x128xf32, #tpu.memory_space<vmem_shared>> -> memref<128x128xf32, #tpu.memory_space<vmem_shared>>
      tpu.wait_dma2 semaphore(%run_scoped3A : memref<!tpu.dma_semaphore, #tpu.memory_space<semaphore_mem>>) src(%arg7 : memref<128x128xf32, #tpu.memory_space<vmem>>) dst(%dma_wait3A_45 : memref<128x128xf32, #tpu.memory_space<vmem_shared>>)
      tpu.yield
    }) : () -> ()
    %mul3A_10 = arith.constant 640 : i32
    %mul3A_11 = arith.muli %arg1, %mul3A_10 : i32
    %add3A_12 = arith.constant 384 : i32
    %add3A_13 = arith.addi %mul3A_11, %add3A_12 : i32
    "tpu.region"() ({
      %run_scoped3A = tpu.sem_alloc : memref<!tpu.dma_semaphore, #tpu.memory_space<semaphore_mem>>
      %dma_start3A = arith.constant 0 : i32
      %dma_start3A_40 = tpu.memref_slice %arg5[%add3A_13, %dma_start3A] : memref<10240x128xf32, #tpu.memory_space<vmem_shared>> -> memref<128x128xf32, #tpu.memory_space<vmem_shared>>
      %dma_start3A_41 = arith.constant 0 : i32
      %dma_start3A_42 = tpu.memref_slice %arg5[%add3A_13, %dma_start3A_41] : memref<10240x128xf32, #tpu.memory_space<vmem_shared>> -> memref<128x128xf32, #tpu.memory_space<vmem_shared>>
      tpu.enqueue_dma source(%arg7 : memref<128x128xf32, #tpu.memory_space<vmem>>) target(%dma_start3A_42 : memref<128x128xf32, #tpu.memory_space<vmem_shared>>) target_semaphore(%run_scoped3A : memref<!tpu.dma_semaphore, #tpu.memory_space<semaphore_mem>>)
      %dma_wait3A = arith.constant 0 : i32
      %dma_wait3A_43 = tpu.memref_slice %arg5[%add3A_13, %dma_wait3A] : memref<10240x128xf32, #tpu.memory_space<vmem_shared>> -> memref<128x128xf32, #tpu.memory_space<vmem_shared>>
      %dma_wait3A_44 = arith.constant 0 : i32
      %dma_wait3A_45 = tpu.memref_slice %arg5[%add3A_13, %dma_wait3A_44] : memref<10240x128xf32, #tpu.memory_space<vmem_shared>> -> memref<128x128xf32, #tpu.memory_space<vmem_shared>>
      tpu.wait_dma2 semaphore(%run_scoped3A : memref<!tpu.dma_semaphore, #tpu.memory_space<semaphore_mem>>) src(%arg7 : memref<128x128xf32, #tpu.memory_space<vmem>>) dst(%dma_wait3A_45 : memref<128x128xf32, #tpu.memory_space<vmem_shared>>)
      tpu.yield
    }) : () -> ()
    %mul3A_14 = arith.constant 640 : i32
    %mul3A_15 = arith.muli %arg1, %mul3A_14 : i32
    %add3A_16 = arith.constant 512 : i32
    %add3A_17 = arith.addi %mul3A_15, %add3A_16 : i32
    "tpu.region"() ({
      %run_scoped3A = tpu.sem_alloc : memref<!tpu.dma_semaphore, #tpu.memory_space<semaphore_mem>>
      %dma_start3A = arith.constant 0 : i32
      %dma_start3A_40 = tpu.memref_slice %arg5[%add3A_17, %dma_start3A] : memref<10240x128xf32, #tpu.memory_space<vmem_shared>> -> memref<128x128xf32, #tpu.memory_space<vmem_shared>>
      %dma_start3A_41 = arith.constant 0 : i32
      %dma_start3A_42 = tpu.memref_slice %arg5[%add3A_17, %dma_start3A_41] : memref<10240x128xf32, #tpu.memory_space<vmem_shared>> -> memref<128x128xf32, #tpu.memory_space<vmem_shared>>
      tpu.enqueue_dma source(%arg7 : memref<128x128xf32, #tpu.memory_space<vmem>>) target(%dma_start3A_42 : memref<128x128xf32, #tpu.memory_space<vmem_shared>>) target_semaphore(%run_scoped3A : memref<!tpu.dma_semaphore, #tpu.memory_space<semaphore_mem>>)
      %dma_wait3A = arith.constant 0 : i32
      %dma_wait3A_43 = tpu.memref_slice %arg5[%add3A_17, %dma_wait3A] : memref<10240x128xf32, #tpu.memory_space<vmem_shared>> -> memref<128x128xf32, #tpu.memory_space<vmem_shared>>
      %dma_wait3A_44 = arith.constant 0 : i32
      %dma_wait3A_45 = tpu.memref_slice %arg5[%add3A_17, %dma_wait3A_44] : memref<10240x128xf32, #tpu.memory_space<vmem_shared>> -> memref<128x128xf32, #tpu.memory_space<vmem_shared>>
      tpu.wait_dma2 semaphore(%run_scoped3A : memref<!tpu.dma_semaphore, #tpu.memory_space<semaphore_mem>>) src(%arg7 : memref<128x128xf32, #tpu.memory_space<vmem>>) dst(%dma_wait3A_45 : memref<128x128xf32, #tpu.memory_space<vmem_shared>>)
      tpu.yield
    }) : () -> ()
    %barrier3A = arith.constant 0 : index
    tpu.barrier barrier_id(%barrier3A)
    %mul3A_18 = arith.constant 2 : i32
    %mul3A_19 = arith.muli %arg1, %mul3A_18 : i32
    %add3A_20 = arith.constant 0 : i32
    %add3A_21 = arith.addi %mul3A_19, %add3A_20 : i32
    "tpu.region"() ({
      %run_scoped3A = tpu.sem_alloc : memref<!tpu.dma_semaphore, #tpu.memory_space<semaphore_mem>>
      %dma_start3A = arith.constant 0 : i32
      %dma_start3A_40 = arith.constant 0 : i32
      %dma_start3A_41 = tpu.memref_slice %arg2[%add3A_21, %dma_start3A, %dma_start3A_40] : memref<32x40x128xi32, #tpu.memory_space<hbm>> -> memref<1x40x128xi32, #tpu.memory_space<hbm>>
      %dma_start3A_42 = tpu.memref_squeeze %dma_start3A_41 : memref<1x40x128xi32, #tpu.memory_space<hbm>> -> memref<40x128xi32, #tpu.memory_space<hbm>>
      %dma_start3A_43 = arith.constant 0 : i32
      %dma_start3A_44 = arith.constant 0 : i32
      %dma_start3A_45 = tpu.memref_slice %arg2[%add3A_21, %dma_start3A_43, %dma_start3A_44] : memref<32x40x128xi32, #tpu.memory_space<hbm>> -> memref<1x40x128xi32, #tpu.memory_space<hbm>>
      %dma_start3A_46 = tpu.memref_squeeze %dma_start3A_45 : memref<1x40x128xi32, #tpu.memory_space<hbm>> -> memref<40x128xi32, #tpu.memory_space<hbm>>
      tpu.enqueue_dma source(%dma_start3A_46 : memref<40x128xi32, #tpu.memory_space<hbm>>) target(%arg6 : memref<40x128xi32, #tpu.memory_space<vmem>>) target_semaphore(%run_scoped3A : memref<!tpu.dma_semaphore, #tpu.memory_space<semaphore_mem>>)
      %dma_wait3A = arith.constant 0 : i32
      %dma_wait3A_47 = arith.constant 0 : i32
      %dma_wait3A_48 = tpu.memref_slice %arg2[%add3A_21, %dma_wait3A, %dma_wait3A_47] : memref<32x40x128xi32, #tpu.memory_space<hbm>> -> memref<1x40x128xi32, #tpu.memory_space<hbm>>
      %dma_wait3A_49 = tpu.memref_squeeze %dma_wait3A_48 : memref<1x40x128xi32, #tpu.memory_space<hbm>> -> memref<40x128xi32, #tpu.memory_space<hbm>>
      %dma_wait3A_50 = arith.constant 0 : i32
      %dma_wait3A_51 = arith.constant 0 : i32
      %dma_wait3A_52 = tpu.memref_slice %arg2[%add3A_21, %dma_wait3A_50, %dma_wait3A_51] : memref<32x40x128xi32, #tpu.memory_space<hbm>> -> memref<1x40x128xi32, #tpu.memory_space<hbm>>
      %dma_wait3A_53 = tpu.memref_squeeze %dma_wait3A_52 : memref<1x40x128xi32, #tpu.memory_space<hbm>> -> memref<40x128xi32, #tpu.memory_space<hbm>>
      tpu.wait_dma2 semaphore(%run_scoped3A : memref<!tpu.dma_semaphore, #tpu.memory_space<semaphore_mem>>) src(%dma_wait3A_53 : memref<40x128xi32, #tpu.memory_space<hbm>>) dst(%arg6 : memref<40x128xi32, #tpu.memory_space<vmem>>)
      tpu.yield
    }) : () -> ()
    %scan3A = arith.constant 0 : i32
    %scan3A_22 = arith.constant 40 : i32
    %scan3A_23 = arith.addi %scan3A, %scan3A_22 : i32
    %scan3A_24 = arith.constant 1 : i32
    scf.for %scan3A_40 = %scan3A to %scan3A_23 step %scan3A_24  : i32 {
      %mul3A_41 = arith.constant 1 : i32
      %mul3A_42 = arith.muli %scan3A_40, %mul3A_41 : i32
      %add3A_43 = arith.constant 0 : i32
      %add3A_44 = arith.addi %add3A_43, %mul3A_42 : i32
      "tpu.region"() ({
        %run_scoped3A = tpu.sem_alloc : memref<!tpu.dma_semaphore, #tpu.memory_space<semaphore_mem>>
        %dma_start3A = arith.constant 0 : i32
        %dma_start3A_45 = tpu.memref_slice %arg6[%add3A_44, %dma_start3A] : memref<40x128xi32, #tpu.memory_space<vmem>> -> memref<1x128xi32, #tpu.memory_space<vmem>>
        %dma_start3A_46 = tpu.memref_squeeze %dma_start3A_45 : memref<1x128xi32, #tpu.memory_space<vmem>> -> memref<128xi32, #tpu.memory_space<vmem>>
        %dma_start3A_47 = arith.constant 0 : i32
        %dma_start3A_48 = arith.constant 0 : i32
        %dma_start3A_49 = tpu.memref_slice %arg5[%dma_start3A_47, %dma_start3A_48] : memref<10240x128xf32, #tpu.memory_space<vmem_shared>> -> memref<10240x128xf32, #tpu.memory_space<vmem_shared>>
        tpu.enqueue_indirect_dma source(%arg7 : memref<128x128xf32, #tpu.memory_space<vmem>>) target(%dma_start3A_49 : memref<10240x128xf32, #tpu.memory_space<vmem_shared>>) offsets(%dma_start3A_46 : memref<128xi32, #tpu.memory_space<vmem>>) semaphore(%run_scoped3A : memref<!tpu.dma_semaphore, #tpu.memory_space<semaphore_mem>>) {add = true}
        %dma_wait3A = arith.constant 0 : i32
        %dma_wait3A_50 = tpu.memref_slice %arg6[%add3A_44, %dma_wait3A] : memref<40x128xi32, #tpu.memory_space<vmem>> -> memref<1x128xi32, #tpu.memory_space<vmem>>
        %dma_wait3A_51 = tpu.memref_squeeze %dma_wait3A_50 : memref<1x128xi32, #tpu.memory_space<vmem>> -> memref<128xi32, #tpu.memory_space<vmem>>
        %dma_wait3A_52 = arith.constant 0 : i32
        %dma_wait3A_53 = arith.constant 0 : i32
        %dma_wait3A_54 = tpu.memref_slice %arg5[%dma_wait3A_52, %dma_wait3A_53] : memref<10240x128xf32, #tpu.memory_space<vmem_shared>> -> memref<10240x128xf32, #tpu.memory_space<vmem_shared>>
        tpu.wait_indirect_dma semaphore(%run_scoped3A : memref<!tpu.dma_semaphore, #tpu.memory_space<semaphore_mem>>) src(%arg7 : memref<128x128xf32, #tpu.memory_space<vmem>>) dst(%dma_wait3A_54 : memref<10240x128xf32, #tpu.memory_space<vmem_shared>>)
        tpu.yield
      }) : () -> ()
    }
    %scan3A_25 = arith.constant 40 : i32
    %mul3A_26 = arith.constant 2 : i32
    %mul3A_27 = arith.muli %arg1, %mul3A_26 : i32
    %add3A_28 = arith.constant 1 : i32
    %add3A_29 = arith.addi %mul3A_27, %add3A_28 : i32
    "tpu.region"() ({
      %run_scoped3A = tpu.sem_alloc : memref<!tpu.dma_semaphore, #tpu.memory_space<semaphore_mem>>
      %dma_start3A = arith.constant 0 : i32
      %dma_start3A_40 = arith.constant 0 : i32
      %dma_start3A_41 = tpu.memref_slice %arg2[%add3A_29, %dma_start3A, %dma_start3A_40] : memref<32x40x128xi32, #tpu.memory_space<hbm>> -> memref<1x40x128xi32, #tpu.memory_space<hbm>>
      %dma_start3A_42 = tpu.memref_squeeze %dma_start3A_41 : memref<1x40x128xi32, #tpu.memory_space<hbm>> -> memref<40x128xi32, #tpu.memory_space<hbm>>
      %dma_start3A_43 = arith.constant 0 : i32
      %dma_start3A_44 = arith.constant 0 : i32
      %dma_start3A_45 = tpu.memref_slice %arg2[%add3A_29, %dma_start3A_43, %dma_start3A_44] : memref<32x40x128xi32, #tpu.memory_space<hbm>> -> memref<1x40x128xi32, #tpu.memory_space<hbm>>
      %dma_start3A_46 = tpu.memref_squeeze %dma_start3A_45 : memref<1x40x128xi32, #tpu.memory_space<hbm>> -> memref<40x128xi32, #tpu.memory_space<hbm>>
      tpu.enqueue_dma source(%dma_start3A_46 : memref<40x128xi32, #tpu.memory_space<hbm>>) target(%arg6 : memref<40x128xi32, #tpu.memory_space<vmem>>) target_semaphore(%run_scoped3A : memref<!tpu.dma_semaphore, #tpu.memory_space<semaphore_mem>>)
      %dma_wait3A = arith.constant 0 : i32
      %dma_wait3A_47 = arith.constant 0 : i32
      %dma_wait3A_48 = tpu.memref_slice %arg2[%add3A_29, %dma_wait3A, %dma_wait3A_47] : memref<32x40x128xi32, #tpu.memory_space<hbm>> -> memref<1x40x128xi32, #tpu.memory_space<hbm>>
      %dma_wait3A_49 = tpu.memref_squeeze %dma_wait3A_48 : memref<1x40x128xi32, #tpu.memory_space<hbm>> -> memref<40x128xi32, #tpu.memory_space<hbm>>
      %dma_wait3A_50 = arith.constant 0 : i32
      %dma_wait3A_51 = arith.constant 0 : i32
      %dma_wait3A_52 = tpu.memref_slice %arg2[%add3A_29, %dma_wait3A_50, %dma_wait3A_51] : memref<32x40x128xi32, #tpu.memory_space<hbm>> -> memref<1x40x128xi32, #tpu.memory_space<hbm>>
      %dma_wait3A_53 = tpu.memref_squeeze %dma_wait3A_52 : memref<1x40x128xi32, #tpu.memory_space<hbm>> -> memref<40x128xi32, #tpu.memory_space<hbm>>
      tpu.wait_dma2 semaphore(%run_scoped3A : memref<!tpu.dma_semaphore, #tpu.memory_space<semaphore_mem>>) src(%dma_wait3A_53 : memref<40x128xi32, #tpu.memory_space<hbm>>) dst(%arg6 : memref<40x128xi32, #tpu.memory_space<vmem>>)
      tpu.yield
    }) : () -> ()
    %scan3A_30 = arith.constant 0 : i32
    %scan3A_31 = arith.constant 40 : i32
    %scan3A_32 = arith.addi %scan3A_30, %scan3A_31 : i32
    %scan3A_33 = arith.constant 1 : i32
    scf.for %scan3A_40 = %scan3A_30 to %scan3A_32 step %scan3A_33  : i32 {
      %mul3A_41 = arith.constant 1 : i32
      %mul3A_42 = arith.muli %scan3A_40, %mul3A_41 : i32
      %add3A_43 = arith.constant 0 : i32
      %add3A_44 = arith.addi %add3A_43, %mul3A_42 : i32
      "tpu.region"() ({
        %run_scoped3A = tpu.sem_alloc : memref<!tpu.dma_semaphore, #tpu.memory_space<semaphore_mem>>
        %dma_start3A = arith.constant 0 : i32
        %dma_start3A_45 = tpu.memref_slice %arg6[%add3A_44, %dma_start3A] : memref<40x128xi32, #tpu.memory_space<vmem>> -> memref<1x128xi32, #tpu.memory_space<vmem>>
        %dma_start3A_46 = tpu.memref_squeeze %dma_start3A_45 : memref<1x128xi32, #tpu.memory_space<vmem>> -> memref<128xi32, #tpu.memory_space<vmem>>
        %dma_start3A_47 = arith.constant 0 : i32
        %dma_start3A_48 = arith.constant 0 : i32
        %dma_start3A_49 = tpu.memref_slice %arg5[%dma_start3A_47, %dma_start3A_48] : memref<10240x128xf32, #tpu.memory_space<vmem_shared>> -> memref<10240x128xf32, #tpu.memory_space<vmem_shared>>
        tpu.enqueue_indirect_dma source(%arg7 : memref<128x128xf32, #tpu.memory_space<vmem>>) target(%dma_start3A_49 : memref<10240x128xf32, #tpu.memory_space<vmem_shared>>) offsets(%dma_start3A_46 : memref<128xi32, #tpu.memory_space<vmem>>) semaphore(%run_scoped3A : memref<!tpu.dma_semaphore, #tpu.memory_space<semaphore_mem>>) {add = true}
        %dma_wait3A = arith.constant 0 : i32
        %dma_wait3A_50 = tpu.memref_slice %arg6[%add3A_44, %dma_wait3A] : memref<40x128xi32, #tpu.memory_space<vmem>> -> memref<1x128xi32, #tpu.memory_space<vmem>>
        %dma_wait3A_51 = tpu.memref_squeeze %dma_wait3A_50 : memref<1x128xi32, #tpu.memory_space<vmem>> -> memref<128xi32, #tpu.memory_space<vmem>>
        %dma_wait3A_52 = arith.constant 0 : i32
        %dma_wait3A_53 = arith.constant 0 : i32
        %dma_wait3A_54 = tpu.memref_slice %arg5[%dma_wait3A_52, %dma_wait3A_53] : memref<10240x128xf32, #tpu.memory_space<vmem_shared>> -> memref<10240x128xf32, #tpu.memory_space<vmem_shared>>
        tpu.wait_indirect_dma semaphore(%run_scoped3A : memref<!tpu.dma_semaphore, #tpu.memory_space<semaphore_mem>>) src(%arg7 : memref<128x128xf32, #tpu.memory_space<vmem>>) dst(%dma_wait3A_54 : memref<10240x128xf32, #tpu.memory_space<vmem_shared>>)
        tpu.yield
      }) : () -> ()
    }
    %scan3A_34 = arith.constant 40 : i32
    %barrier3A_35 = arith.constant 0 : index
    tpu.barrier barrier_id(%barrier3A_35)
    %mul3A_36 = arith.constant 640 : i32
    %mul3A_37 = arith.muli %arg1, %mul3A_36 : i32
    %mul3A_38 = arith.constant 640 : i32
    %mul3A_39 = arith.muli %arg1, %mul3A_38 : i32
    "tpu.region"() ({
      %run_scoped3A = tpu.sem_alloc : memref<!tpu.dma_semaphore, #tpu.memory_space<semaphore_mem>>
      %dma_start3A = arith.constant 0 : i32
      %dma_start3A_40 = tpu.memref_slice %arg4[%arg0, %mul3A_39, %dma_start3A] : memref<2x10240x128xf32, #tpu.memory_space<hbm>> -> memref<1x640x128xf32, #tpu.memory_space<hbm>>
      %dma_start3A_41 = tpu.memref_squeeze %dma_start3A_40 : memref<1x640x128xf32, #tpu.memory_space<hbm>> -> memref<640x128xf32, #tpu.memory_space<hbm>>
      %dma_start3A_42 = arith.constant 0 : i32
      %dma_start3A_43 = tpu.memref_slice %arg5[%mul3A_37, %dma_start3A_42] : memref<10240x128xf32, #tpu.memory_space<vmem_shared>> -> memref<640x128xf32, #tpu.memory_space<vmem_shared>>
      tpu.enqueue_dma source(%dma_start3A_43 : memref<640x128xf32, #tpu.memory_space<vmem_shared>>) target(%dma_start3A_41 : memref<640x128xf32, #tpu.memory_space<hbm>>) target_semaphore(%run_scoped3A : memref<!tpu.dma_semaphore, #tpu.memory_space<semaphore_mem>>)
      %dma_wait3A = arith.constant 0 : i32
      %dma_wait3A_44 = tpu.memref_slice %arg4[%arg0, %mul3A_39, %dma_wait3A] : memref<2x10240x128xf32, #tpu.memory_space<hbm>> -> memref<1x640x128xf32, #tpu.memory_space<hbm>>
      %dma_wait3A_45 = tpu.memref_squeeze %dma_wait3A_44 : memref<1x640x128xf32, #tpu.memory_space<hbm>> -> memref<640x128xf32, #tpu.memory_space<hbm>>
      %dma_wait3A_46 = arith.constant 0 : i32
      %dma_wait3A_47 = tpu.memref_slice %arg5[%mul3A_37, %dma_wait3A_46] : memref<10240x128xf32, #tpu.memory_space<vmem_shared>> -> memref<640x128xf32, #tpu.memory_space<vmem_shared>>
      tpu.wait_dma2 semaphore(%run_scoped3A : memref<!tpu.dma_semaphore, #tpu.memory_space<semaphore_mem>>) src(%dma_wait3A_47 : memref<640x128xf32, #tpu.memory_space<vmem_shared>>) dst(%dma_wait3A_45 : memref<640x128xf32, #tpu.memory_space<hbm>>)
      tpu.yield
    }) : () -> ()
    return
  }
}

</mosaic_0001>

<sc_bundles>
// kernel: _deg_call.3.cloned.1.call-start
scs
__scs_entry_jumppad:
0x0: {  	(pc) =	sbr.rel $0x88, $3  }
0x1: {  	(tag) =	ssettag $0x0;
	lr =	simm.s32 $0x1  }
0x2: {  	[smem:$0x3F9F] =	sst lr;
	_ =	strace $0xD0000000  }
0x3: {  	_ = 	snop  }
0x4: {  	_ = 	snop  }
0x5: {  	_ = 	snop  }
0x6: {  	_ = 	snop  }
0x7: {  	_ = 	snop  }
__scs_overlays_trampoline_lowered:
0x8: {  	[smem:$0x3FAE] =	sst s0  }
0x9: {  	[smem:$0x3FAF] =	sst s1  }
0xa: {  	[smem:$0x3FB0] =	sst s2  }
0xb: {  	[smem:$0x3FB1] =	sst s3  }
0xc: {  	[smem:$0x3FB2] =	sst s4  }
0xd: {  	[smem:$0x3FB3] =	sst s5  }
0xe: {  	[smem:$0x3FB4] =	sst s6  }
0xf: {  	[smem:$0x3FB5] =	sst s7  }
0x10: {  	[smem:$0x3FB6] =	sst s8  }
0x11: {  	[smem:$0x3FB7] =	sst s9;
	s0 =	simm.s32 @!p0 $0x0  }
0x12: {  	s1 =	sld [smem:$0x3F9D];
	s0 =	simm.s32 @p0 $0x1  }
0x13: {  	[smem:$0x3FB8] =	sst s0;
	s0 =	simm.s32 @!p1 $0x0  }
0x14: {  	s2 =	sld [smem:$0x3F9C];
	s0 =	simm.s32 @p1 $0x1  }
0x15: {  	[smem:$0x3FB9] =	sst s0;
	s0 =	simm.s32 @!p2 $0x0  }
0x16: {  	s3 =	sld [smem:$0x3FDB];
	s0 =	simm.s32 @p2 $0x1  }
0x17: {  	s4 =	simm.s32 $0x1BF5;
	[smem:$0x3FBB] =	sst s0  }
0x18: {  	s0 =	sld [smem:$0x3F9E];
	_ =	swait.ge [sflag:s4], $0x0  }
0x19: {  	s7 =	sld [smem:$0x3F9F]  }
0x1a: {  	s8 =	sadd.s32 $0xFFFFE003, lr  }
0x1b: {  	s9 =	sadd.s32 $0xFFFFFEF7, lr;
	s5 =	simm.s32 $0xFFFFFFFF;
	p2 =	slt.u32 s8, $0xFFFFF086  }
0x1c: {  	p1 =	slt.u32 s9, $0xF7A;
	s5 =	simm.s32 @!p2 $0x0  }
0x1d: {  	s5 =	simm.s32 @p1 $0x1;
	p0 =	seq.s32 s7, s2  }
0x1e: {  	s7 =	smul.u32 @!p0 $0xF7A, s2;
	p2 =	seq.s32 @!p0 s5, $0x0  }
0x1f: {  	s9 =	smul.u32 $0xF7A, s1;
	s8 =	simm.s32 @!p0 $0x1BF5;
	p2 =	por !p2, p0  }
0x20: {  	[sflag:s8] =	ssyncset.s32 @!p0 $0xFFFFF086;
	s6 =	sadd.s32 @!p0 s3, s7;
	s7 =	simm.s32 @!p0 $0x108  }
0x21: {  	s3 =	sadd.s32 s3, s9;
	s6 =	sadd.s32 @!p0 $0x88, s6;
	s7 =	simm.s32 @p2 $0x1082  }
0x22: {  	[simem:s7], [sflag:s8] =	dma.local @!p0 [hbm:s6], $0xF7A  }
0x23: {  	s9 =	sor.u32 $0xD0000000, s2;
	s6 =	simm.s32 $0x108;
	_ =	swait.ge @!p0 [sflag:s8], $0x0  }
0x24: {  	s3 =	sadd.s32 $0x88, s3;
	s6 =	simm.s32 @!p1 $0x1082;
	[sflag:s4] =	ssyncset.s32 $0xFFFFF086  }
0x25: {  	[simem:s6], [sflag:s4] =	dma.local [hbm:s3], $0xF7A  }
0x26: {  	[smem:$0x3F9F] =	sst s1;
	(tag) =	ssettag s2;
	_ =	strace s9  }
0x27: {  	s1 =	sld [smem:$0x3FAF]  }
0x28: {  	s2 =	sld [smem:$0x3FB0]  }
0x29: {  	s4 =	sld [smem:$0x3FB2]  }
0x2a: {  	p0 =	seq.s32 s5, $0x0;
	s5 =	sld [smem:$0x3FB3]  }
0x2b: {  	s6 =	sld [smem:$0x3FB4]  }
0x2c: {  	s7 =	sld [smem:$0x3FB5]  }
0x2d: {  	s3 =	simm.s32 $0x108;
	s8 =	sld [smem:$0x3FB6]  }
0x2e: {  	s3 =	simm.s32 @!p0 $0x1082;
	s9 =	sld [smem:$0x3FB7]  }
0x2f: {  	lr =	sadd.s32 s0, s3;
	s0 =	sld [smem:$0x3FAE]  }
0x30: {  	s3 =	sld [smem:$0x3FB1]  }
0x31: {  	[smem:$0x3FBA] =	sst s10  }
0x32: {  	s10 =	sld [smem:$0x3FB8];
	_ =	sdelay $0x3  }
0x33: {  	p0 =	seq.s32 s10, $0x1;
	s10 =	sld [smem:$0x3FBA];
	_ =	sdelay $0x3  }
0x34: {  	[smem:$0x3FBA] =	sst s10  }
0x35: {  	s10 =	sld [smem:$0x3FB9];
	_ =	sdelay $0x3  }
0x36: {  	p1 =	seq.s32 s10, $0x1;
	s10 =	sld [smem:$0x3FBA];
	_ =	sdelay $0x3  }
0x37: {  	[smem:$0x3FBA] =	sst s10  }
0x38: {  	s10 =	sld [smem:$0x3FBB]  }
0x39: {  	_ = 	snop;
	(pc) =	sbr.ind lr, $3  }
0x3a: {  	_ = 	snop  }
0x3b: {  	_ = 	snop  }
0x3c: {  	p2 =	seq.s32 s10, $0x1;
	s10 =	sld [smem:$0x3FBA]  }
0x3d: {  	_ =	shalt  }
0x3e: {  	_ =	shalt  }
0x3f: {  	_ =	shalt  }
0x40: {  	_ =	shalt  }
0x41: {  	_ =	shalt  }
0x42: {  	_ =	shalt  }
0x43: {  	_ =	shalt  }
0x44: {  	_ =	shalt  }
0x45: {  	_ =	shalt  }
0x46: {  	_ =	shalt  }
0x47: {  	_ =	shalt  }
0x48: {  	_ =	shalt  }
0x49: {  	_ =	shalt  }
0x4a: {  	_ =	shalt  }
0x4b: {  	_ =	shalt  }
0x4c: {  	_ =	shalt  }
0x4d: {  	_ =	shalt  }
0x4e: {  	_ =	shalt  }
0x4f: {  	_ =	shalt  }
0x50: {  	_ =	shalt  }
0x51: {  	_ =	shalt  }
0x52: {  	_ =	shalt  }
0x53: {  	_ =	shalt  }
0x54: {  	_ =	shalt  }
0x55: {  	_ =	shalt  }
0x56: {  	_ =	shalt  }
0x57: {  	_ =	shalt  }
0x58: {  	_ =	shalt  }
0x59: {  	_ =	shalt  }
0x5a: {  	_ =	shalt  }
0x5b: {  	_ =	shalt  }
0x5c: {  	_ =	shalt  }
0x5d: {  	_ =	shalt  }
0x5e: {  	_ =	shalt  }
0x5f: {  	_ =	shalt  }
0x60: {  	_ =	shalt  }
0x61: {  	_ =	shalt  }
0x62: {  	_ =	shalt  }
0x63: {  	_ =	shalt  }
0x64: {  	_ =	shalt  }
0x65: {  	_ =	shalt  }
0x66: {  	_ =	shalt  }
0x67: {  	_ =	shalt  }
0x68: {  	_ =	shalt  }
0x69: {  	_ =	shalt  }
0x6a: {  	_ =	shalt  }
0x6b: {  	_ =	shalt  }
0x6c: {  	_ =	shalt  }
0x6d: {  	_ =	shalt  }
0x6e: {  	_ =	shalt  }
0x6f: {  	_ =	shalt  }
0x70: {  	_ =	shalt  }
0x71: {  	_ =	shalt  }
0x72: {  	_ =	shalt  }
0x73: {  	_ =	shalt  }
0x74: {  	_ =	shalt  }
0x75: {  	_ =	shalt  }
0x76: {  	_ =	shalt  }
0x77: {  	_ =	shalt  }
0x78: {  	_ =	shalt  }
0x79: {  	_ =	shalt  }
0x7a: {  	_ =	shalt  }
0x7b: {  	_ =	shalt  }
0x7c: {  	_ =	shalt  }
0x7d: {  	_ =	shalt  }
0x7e: {  	_ =	shalt  }
0x7f: {  	_ =	shalt  }
0x80: {  	_ =	shalt  }
0x81: {  	_ =	shalt  }
0x82: {  	_ =	shalt  }
0x83: {  	_ =	shalt  }
0x84: {  	_ =	shalt  }
0x85: {  	_ =	shalt  }
0x86: {  	_ =	shalt  }
0x87: {  	_ =	shalt  }
.Lfunc_end0:
.L_simem_size_0:
called_computation_lowered:
.L_overlay_start_0:
0x88: {  	s2 =	sld [smem:$0x3FD9]  }
0x89: {  	s3 =	sld [smem:$0x3FFE];
	_ =	sdelay $0x1  }
0x8a: {  	s1 =	srdreg.scid  }
0x8b: {  	s0 =	sand.u32 $0x1, s1  }
0x8c: {  	s18 =	sshll.u32 s0, $0xA;
	s2 =	sadd.s32 s3, s2  }
0x8d: {  	s2 =	sadd.s32 s2, s18  }
0x8e: {  	[smem:$0x3FC6] =	sst s2  }
0x8f: {  	_ = 	snop  }
0x90: {  	s2 =	sld [smem:$0x3FC9]  }
0x91: {  	s19 =	sld [smem:$0x3FC8]  }
0x92: {  	s4 =	sld [smem:$0x3FD0];
	(tm) =	ssettm $0x1  }
0x93: {  	s5 =	sld [smem:$0x3FFB];
	_ =	sdelay $0x3  }
0x94: {  	_ =	strace s5  }
0x95: {  	s5 =	sld [smem:$0x3FFC];
	_ =	sdelay $0x3  }
0x96: {  	_ =	strace s5  }
0x97: {  	s5 =	sld [smem:$0x3FFD];
	_ =	sdelay $0x3  }
0x98: {  	_ =	strace s5  }
0x99: {  	_ =	strace $0x8FFFFFFF  }
0x9a: {  	s20 =	sld [smem:$0x3FDB];
	_ =	sdelay $0x1  }
0x9b: {  	s6 =	simm.s32 $_scs_section_size  }
0x9c: {  	s7 =	simm.s32 $_size__tile_overlayer_lowered;
	s8 =	simm.s32 $_tile_overlayer_lowered  }
0x9d: {  	s23 =	simm.s32 $0x1BFF;
	s22 =	sshll.u32 s8, $0x1;
	s5 =	sadd.s32 s6, s20  }
0x9e: {  	s9 =	simm.s32 $0x0;
	s21 =	sshll.u32 s7, $0x1;
	s7 =	sadd.s32 s22, s5  }
0x9f: {  	[timem:s9], [sflag:s23] =	dma.local [hbm:s7], s21  }
0xa0: {  	_ =	swait.ge [sflag:s23], s21  }
0xa1: {  	s6 =	ssub.s32 $0x0, s21;
	[sflag:s23] =	ssyncset.done $0x0  }
0xa2: {  	[sflag:s23] =	ssyncadd.s32 s6;
	_ =	sdelay $0x1  }
0xa3: {  	s24 =	simm.s32 $0x1B8B  }
0xa4: {  	_ =	swait.ge [sflag:s24], $0x1  }
0xa5: {  	[sflag:s24] =	ssyncset.done $0x0  }
0xa6: {  	s25 =	simm.s32 $0x1B8E;
	[sflag:s24] =	ssyncadd.s32 $0xFFFFFFFF  }
0xa7: {  	s26 =	simm.s32 $execute0_lowered;
	[smem:$0x3FD2] =	sst s25  }
0xa8: {  	s6 =	sshll.u32 s26, $0x1;
	_ =	strace $0x80000046;
	[dreg:$0x1] =	wrdreg $0xFFFFFFFF  }
0xa9: {  	s28 =	simm.s32 $_size_execute0_lowered;
	s5 =	sadd.s32 s5, s6;
	[dreg:$0x0] =	wrdreg $0x0  }
0xaa: {  	s6 =	sshll.u32 s28, $0x1;
	[dreg:$0x2] =	wrdreg s5  }
0xab: {  	[dreg:$0x3] =	wrdreg s6  }
0xac: {  	[dreg:$0x4] =	wrdreg $0xC0  }
0xad: {  	_ =	task [dreg:s9], $0x5FFFF  }
0xae: {  	[dreg:$0x1] =	wrdreg $0xFFFFFFFF  }
0xaf: {  	[dreg:$0x0] =	wrdreg $0x60  }
0xb0: {  	[dreg:$0x2] =	wrdreg s2  }
0xb1: {  	[dreg:$0x3] =	wrdreg s19  }
0xb2: {  	[dreg:$0x4] =	wrdreg s4  }
0xb3: {  	[dreg:$0x5] =	wrdreg $0x0  }
0xb4: {  	[dreg:$0x6] =	wrdreg $0x9  }
0xb5: {  	_ =	task.clear_ibuf [dreg:s9], $0x7FFFF;
	_ =	strace $0x90000046  }
0xb6: {  	s29 =	simm.s32 $0x9;
	_ =	strace $0x80000048  }
0xb7: {  	_ =	swait.ge [sflag:s29], $0x1  }
0xb8: {  	[sflag:s29] =	ssyncadd.s32 $0xFFFFFFFF  }
0xb9: {  	_ =	strace $0x90000048  }
0xba: {  	_ =	sfence  }
0xbb: {  	s30 =	sld [smem:$0x0];
	_ =	sdelay $0x2  }
0xbc: {  	s31 =	sshll.u32 s1, $0xD;
	s1 =	sshrl.u32 s1, $0x2  }
0xbd: {  	s3 =	sand.u32 $0x4000, s31;
	s1 =	sadd.s32 s1, s30  }
0xbe: {  	s0 =	sor.u32 s3, s0;
	s1 =	sshll.u32 s1, $0x11  }
0xbf: {  	s0 =	sor.u32 s1, s0  }
0xc0: {  	s0 =	sadd.s32 $0x8F2B, s0  }
0xc1: {  	[sflag:s0] =	ssyncadd.remote.s32 $0x1  }
0xc2: {  	_ =	sfence.sel $0xFFFF  }
0xc3: {  	[dreg:$0x0] =	wrdreg $0xFFFFFFFF;
	(pc) =	sbr.abs _section_cstart, $3  }
0xc4: {  	[dreg:$0x1] =	wrdreg $0xFFFFFFFF  }
0xc5: {  	_ =	task.clear_ibuf [dreg:s9], $0x2FFFF;
	_ =	strace $0x9FFFFFFF  }
0xc6: {  	(tm) =	ssettm $0x7FFFFFFF  }
0xc7: {  	_ =	shalt  }
tec
execute0_lowered:
.L_overlay_start_1:
0x0: {  	(tag) =	ssettag $0x1  }
0x1: {  	s10 =	rddreg [dreg:$0x0]  }
0x2: {  	s1 =	rddreg [dreg:$0x1]  }
0x3: {  	s12 =	rddreg [dreg:$0x2]  }
0x4: {  	s3 =	rddreg [dreg:$0x3];
	s2 =	stileid.u32  }
0x5: {  	s0 =	rddreg [dreg:$0x4];
	s4 =	simm.s32 $0x0;
	s6 =	smul.u32 $0x50000, s2  }
0x6: {  	s5 =	srdreg.scid;
	s17 =	simm.s32 $0x80;
	s9 =	smul.u32 $0x2800, s2  }
0x7: {  	s20 =	simm.s32 $0x0;
	[smem:$0x7FF] =	sst s4;
	s14 =	smul.u32 $0x14000, s2  }
0x8: {  	s5 =	sand.u32 $0x1, s5;
	s15 =	smul.u32 $0x500, s2;
	s18 =	sshll.u32 s2, $0x6  }
0x9: {  	_ =	strace $0x80000047;
	s7 =	ssub.s32 $0x2, s5;
	s11 =	smul.u32 $0x140000, s5  }
0xa: {  	s18 =	sor.u32 $0x1C01, s18;
	s8 =	sshrl.u32 s7, $0x1;
	s6 =	sshrl.u32 s6, $0x2  }
0xb: {  	s16 =	sshrl.u32 s9, $0x3;
	s13 =	ssub.s32 s7, s8;
	s5 =	sadd.s32 s6, s3  }
0xc: {  	s11 =	sadd.s32 s14, s11;
	s30 =	sadd.s32 s10, s16;
	s10 =	sadd.s32 s10, s15  }
0xd: {  	s14 =	simm.s32 $0x15400;
	s15 =	simm.s32 $0x1;
	s16 =	simm.s32 $0x14000  }
0xe: {  	s6 =	sadd.s32 $0x4000, s5;
	s7 =	sadd.s32 $0x8000, s5;
	s8 =	sadd.s32 $0xC000, s5  }
0xf: {  	s9 =	sadd.s32 $0x10000, s5;
	s31 =	sshrl.u32 s11, $0x3;
	s11 =	sadd.s32 $0x280, s30  }
0x10: {  	s13 =	smax.u32 s13, $0x1;
	s19 =	sshrl.u32 s5, $0x3;
	s12 =	sadd.s32 s12, s31  }
.LBB2_1:
0x11: {  	[tilespmem:s14], [sflag:$0x1] =	stream.linear.gather [hbm4b:s1+s4], $0x4000, $0x38;
	[tilespmem:$0x19400] =	vst v63  }
0x12: {  	_ =	swait.ge [sflag:s15], $0x4000  }
0x13: {  	[sflag:s15] =	ssyncset.done $0x0  }
0x14: {  	[sflag:s15] =	ssyncadd.s32 $0xFFFFC000  }
0x15: {  	[spmem:s5] =	stream.linear.scatter [tilespmem:s14], [sflag:$0x1], $0x4000, $0x38;
	[tilespmem:$0x19400] =	vst v63  }
0x16: {  	_ =	swait.ge [sflag:s15], $0x4000  }
0x17: {  	[sflag:s15] =	ssyncset.done $0x0  }
0x18: {  	[sflag:s15] =	ssyncadd.s32 $0xFFFFC000  }
0x19: {  	[spmem:s6] =	stream.linear.scatter [tilespmem:s14], [sflag:$0x1], $0x4000, $0x38;
	[tilespmem:$0x19400] =	vst v63  }
0x1a: {  	_ =	swait.ge [sflag:s15], $0x4000  }
0x1b: {  	[sflag:s15] =	ssyncset.done $0x0  }
0x1c: {  	[sflag:s15] =	ssyncadd.s32 $0xFFFFC000  }
0x1d: {  	[spmem:s7] =	stream.linear.scatter [tilespmem:s14], [sflag:$0x1], $0x4000, $0x38;
	[tilespmem:$0x19400] =	vst v63  }
0x1e: {  	_ =	swait.ge [sflag:s15], $0x4000  }
0x1f: {  	[sflag:s15] =	ssyncset.done $0x0  }
0x20: {  	[sflag:s15] =	ssyncadd.s32 $0xFFFFC000  }
0x21: {  	[spmem:s8] =	stream.linear.scatter [tilespmem:s14], [sflag:$0x1], $0x4000, $0x38;
	[tilespmem:$0x19400] =	vst v63  }
0x22: {  	_ =	swait.ge [sflag:s15], $0x4000  }
0x23: {  	[sflag:s15] =	ssyncset.done $0x0  }
0x24: {  	[sflag:s15] =	ssyncadd.s32 $0xFFFFC000  }
0x25: {  	[spmem:s9] =	stream.linear.scatter [tilespmem:s14], [sflag:$0x1], $0x4000, $0x38;
	[tilespmem:$0x19400] =	vst v63  }
0x26: {  	_ =	swait.ge [sflag:s15], $0x4000  }
0x27: {  	[sflag:s15] =	ssyncset.done $0x0  }
0x28: {  	[sflag:s15] =	ssyncadd.s32 $0xFFFFC000  }
0x29: {  	[bflag:$0x0] =	sbarrier.arrive $0xFFFF  }
0x2a: {  	[tilespmem:s16], [sflag:$0x1] =	stream.linear.gather [hbm4b:s10+s4], $0x1400, $0x38;
	[tilespmem:$0x19400] =	vst v63  }
0x2b: {  	_ =	swait.ge [sflag:s15], $0x1400  }
0x2c: {  	[sflag:s15] =	ssyncset.done $0x0  }
0x2d: {  	s21 =	simm.s32 $0x14000;
	[sflag:s15] =	ssyncadd.s32 $0xFFFFEC00  }
0x2e: {  	[spmem:s3] =	stream.indirect.scatter.add.f32 [tilespmem:s14], [sflag:$0x1], $0x80, s21, s17, $0xb8;
	[tilespmem:$0x19400] =	vst v63  }
0x2f: {  	s21 =	simm.s32 $0x200;
	_ =	swait.ge [sflag:s15], $0x4000  }
.LBB2_2:
0x30: {  	s22 =	sshra.s32 s21, $0x2;
	[sflag:s15] =	ssyncset.done $0x0;
	p0 =	sne.s32 s21, $0x4E00  }
.Ltmp0:
0x31: {  	s22 =	sadd.s32 $0x14000, s22;
	[sflag:s15] =	ssyncadd.s32 $0xFFFFC000;
	(pc) =	sbr.rel @p0 .LBB2_2-.Ltmp0, $3  }
0x32: {  	[spmem:s3] =	stream.indirect.scatter.add.f32 [tilespmem:s14], [sflag:$0x1], $0x80, s22, s17, $0xb8;
	[tilespmem:$0x19400] =	vst v63  }
0x33: {  	s21 =	sadd.s32 $0x200, s21;
	_ =	sdelay $0x1  }
0x34: {  	_ =	swait.ge [sflag:s15], $0x4000  }
0x35: {  	[sflag:s15] =	ssyncset.done $0x0  }
0x36: {  	s21 =	simm.s32 $0x0;
	[sflag:s15] =	ssyncadd.s32 $0xFFFFC000  }
0x37: {  	[tilespmem:s16], [sflag:$0x1] =	stream.linear.gather [hbm4b:s11+s21], $0x1400, $0x38;
	[tilespmem:$0x19400] =	vst v63  }
0x38: {  	_ =	swait.ge [sflag:s15], $0x1400  }
0x39: {  	[sflag:s15] =	ssyncset.done $0x0  }
0x3a: {  	s31 =	simm.s32 $0x14000;
	[sflag:s15] =	ssyncadd.s32 $0xFFFFEC00  }
0x3b: {  	[spmem:s3] =	stream.indirect.scatter.add.f32 [tilespmem:s14], [sflag:$0x1], $0x80, s31, s17, $0xb8;
	[tilespmem:$0x19400] =	vst v63  }
0x3c: {  	s21 =	simm.s32 $0x200;
	_ =	swait.ge [sflag:s15], $0x4000  }
.LBB2_4:
0x3d: {  	s22 =	sshra.s32 s21, $0x2;
	[sflag:s15] =	ssyncset.done $0x0;
	p0 =	sne.s32 s21, $0x4E00  }
.Ltmp1:
0x3e: {  	s22 =	sadd.s32 $0x14000, s22;
	[sflag:s15] =	ssyncadd.s32 $0xFFFFC000;
	(pc) =	sbr.rel @p0 .LBB2_4-.Ltmp1, $3  }
0x3f: {  	[spmem:s3] =	stream.indirect.scatter.add.f32 [tilespmem:s14], [sflag:$0x1], $0x80, s22, s17, $0xb8;
	[tilespmem:$0x19400] =	vst v63  }
0x40: {  	s21 =	sadd.s32 $0x200, s21;
	_ =	sdelay $0x1  }
0x41: {  	_ =	swait.ge [sflag:s15], $0x4000  }
0x42: {  	[sflag:s15] =	ssyncset.done $0x0;
	s20 =	sadd.s32 $0x1, s20  }
0x43: {  	[sflag:s15] =	ssyncadd.s32 $0xFFFFC000;
	p0 =	sne.s32 s20, s13  }
.Ltmp2:
0x44: {  	[bflag:$0x0] =	sbarrier.arrive $0xFFFF;
	(pc) =	sbr.rel @p0 .LBB2_1-.Ltmp2, $4  }
0x45: {  	[hbm:s12], [sflag:s18] =	dma.local [spmem:s19], $0x2800  }
0x46: {  	_ =	swait.ge [sflag:s15], $0x2800  }
0x47: {  	[sflag:s15] =	ssyncset.done $0x0  }
0x48: {  	[sflag:s15] =	ssyncadd.s32 $0xFFFFD800  }
0x49: {  	_ =	sfence.sel $0x180000  }
0x4a: {  	[bflag:$0x0] =	sbarrier.arrive $0xFFFF  }
0x4b: {  	p0 =	sne.s32 s2, $0x0;
	_ =	strace $0x90000047  }
0x4c: {  	s0 =	sadd.s32 @!p0 $0x100000, s0;
	[bflag:$0x2] =	sbarrier.arrive $0xFFFF  }
0x4d: {  	[sflag:s0] =	ssyncadd.tile.s32 @!p0 $0x1;
	_ =	shalt  }
.Lfunc_end2:
_tile_overlayer_lowered:
.L_overlay_start_2:
0x4e: {  	(tag) =	ssettag $0x2  }
0x4f: {  	s0 =	rddreg [dreg:$0x0];
	s2 =	stileid.u32  }
0x50: {  	s1 =	rddreg [dreg:$0x1];
	p0 =	sne.s32 s2, $0x0  }
0x51: {  	s3 =	rddreg [dreg:$0x2];
	[bflag:$0x3] =	sbarrier.arrive $0xFFFF;
	s2 =	simm.s32 @!p0 $0x1C01  }
0x52: {  	[timem:s3], [sflag:s2] =	dma.local @!p0 [hbm:s0], s1  }
0x53: {  	s0 =	simm.s32 @!p0 $0x1  }
0x54: {  	_ =	swait.ge @!p0 [sflag:s0], s1  }
0x55: {  	s1 =	ssub.s32 @!p0 $0x0, s1;
	[sflag:s0] =	ssyncset.done @!p0 $0x0  }
0x56: {  	[sflag:s0] =	ssyncadd.s32 @!p0 s1  }
0x57: {  	[bflag:$0x3] =	sbarrier.arrive $0xFFFF  }
0x58: {  	_ =	shalt  }

</sc_bundles>
